<compile_context>
chip_gen: v7x
topology: tpu7x:2x2x1
jax: 0.10.2.dev20260603
libtpu: 0.0.44.dev20260713+nightly
codegen_flags: <defaults>
</compile_context>

<pallas_src>
import functools

import jax
import jax.numpy as jnp
from jax import lax
from jax.experimental import pallas as pl
from jax.experimental.pallas import tpu as pltpu
from jax.experimental.pallas import tpu_sc as plsc

_info = plsc.get_sparse_core_info()
_NC = _info.num_cores
_NS = _info.num_subcores
_NW = _NC * _NS

_LANES = 128


def _make_bcast(batch, rows, dtype, k):
  b_per_w = batch // _NW
  n_dma = b_per_w // k
  mesh = plsc.VectorSubcoreMesh(core_axis_name="c", subcore_axis_name="s")

  @functools.partial(
      pl.kernel,
      out_type=jax.ShapeDtypeStruct((batch * rows, _LANES), dtype),
      mesh=mesh,
      scratch_types=[
          pltpu.VMEM((k * rows, _LANES), dtype),
          pltpu.SemaphoreType.DMA,
          pltpu.SemaphoreType.DMA,
      ],
  )
  def bcast(pek_hbm, out_hbm, rep_v, sem_in, sem_out):
    cid = lax.axis_index("c")
    sid = lax.axis_index("s")
    wid = sid * _NC + cid
    base = wid * b_per_w

    pltpu.async_copy(pek_hbm, rep_v, sem_in).wait()

    outs = [
        pltpu.async_copy(
            rep_v, out_hbm.at[pl.ds((base + t * k) * rows, k * rows)],
            sem_out)
        for t in range(n_dma)
    ]
    for h in outs:
      h.wait()

  return bcast


def _make_bcast_exact(batch, max_len, d_model, dtype):
  b_per_w = batch // _NW
  k = 4
  while b_per_w % k:
    k //= 2
  n_dma = b_per_w // k
  mesh = plsc.VectorSubcoreMesh(core_axis_name="c", subcore_axis_name="s")

  @functools.partial(
      pl.kernel,
      out_type=jax.ShapeDtypeStruct((batch, max_len, d_model), dtype),
      mesh=mesh,
      scratch_types=[
          pltpu.VMEM((k, max_len, d_model), dtype),
          pltpu.SemaphoreType.DMA,
          pltpu.SemaphoreType.DMA,
      ],
  )
  def bcast(pe_hbm, out_hbm, rep_v, sem_in, sem_out):
    cid = lax.axis_index("c")
    sid = lax.axis_index("s")
    wid = sid * _NC + cid
    base = wid * b_per_w
    fills = [pltpu.async_copy(pe_hbm, rep_v.at[j], sem_in)
             for j in range(k)]
    for h in fills:
      h.wait()
    outs = [
        pltpu.async_copy(rep_v, out_hbm.at[pl.ds(base + t * k, k)], sem_out)
        for t in range(n_dma)
    ]
    for h in outs:
      h.wait()

  return bcast


def kernel(x, pe_weight):
  batch = x.shape[0]
  max_len, d_model = pe_weight.shape
  n = max_len * d_model
  b_per_w = batch // _NW
  if batch % _NW == 0 and n % _LANES == 0:
    rows = n // _LANES
    k = 8
    rows_pad = (rows + 7) // 8 * 8
    while k > 1 and (b_per_w % k or k * rows_pad * _LANES > 131000):
      k //= 2
    pek = jnp.tile(pe_weight.reshape(rows, _LANES), (k, 1))
    out = _make_bcast(batch, rows, pe_weight.dtype, k)(pek)
    out = lax.optimization_barrier(out)
    return out.reshape(batch, max_len, d_model)
  return _make_bcast_exact(batch, max_len, d_model, pe_weight.dtype)(pe_weight)

# --- scband reference (transcript-rebuilt; emitter-appended) ---
"""Pipeline reference for scband-positional-embedding-18459769438631 (READ-ONLY COPY).

The authoritative reference and input builder live on the scoring server;
editing this copy changes nothing except your own understanding.
"""

import jax, jax.numpy as jnp
import numpy as np

MAX_LEN = 200
D_MODEL = 64
BATCH = 4096

def setup_inputs(seed: int = 0) -> dict:
    key = jax.random.key(seed)
    k1, k2 = jax.random.split(key)
    x = jax.random.normal(k1, (BATCH, MAX_LEN, D_MODEL), dtype=jnp.float32)
    pe_weight = jax.random.normal(k2, (MAX_LEN, D_MODEL), dtype=jnp.float32)
    return {"x": x, "pe_weight": pe_weight}

def reference(x, pe_weight):
    # forward: pe.weight.unsqueeze(0).repeat(batch_size, 1, 1)
    batch_size = x.shape[0]
    return jnp.tile(pe_weight[None, :, :], (batch_size, 1, 1))

if __name__ == "__main__":
    import jax
    _d = setup_inputs()
    print(jax.jit(kernel)(*tuple(_d.values())))

</pallas_src>

<mosaic_0001>
#map = affine_map<(d0, d1) -> (0, 0)>
module attributes {stable_mosaic.version = 14 : i64} {
  func.func @bcast(%arg0: i32, %arg1: i32, %arg2: memref<800x128xf32, #tpu.memory_space<hbm>>, %arg3: memref<409600x128xf32, #tpu.memory_space<hbm>>, %arg4: memref<800x128xf32, #tpu.memory_space<vmem>>, %arg5: memref<!tpu.dma_semaphore, #tpu.memory_space<semaphore_mem>>, %arg6: memref<!tpu.dma_semaphore, #tpu.memory_space<semaphore_mem>>) attributes {dimension_semantics = [#tpu.dimension_semantics<core_parallel>, #tpu.dimension_semantics<subcore_parallel>], iteration_bounds = array<i64: 2, 16>, scalar_prefetch = 0 : i64, scratch_operands = 3 : i64, tpu.core_type = #tpu.core_type<sc_vector_subcore>, window_params = [{transform_indices = #map}, {transform_indices = #map}]} {
    %mul3A = arith.constant 2 : i32
    %mul3A_0 = arith.muli %arg1, %mul3A : i32
    %add3A = arith.addi %mul3A_0, %arg0 : i32
    %mul3A_1 = arith.constant 128 : i32
    %mul3A_2 = arith.muli %add3A, %mul3A_1 : i32
    tpu.enqueue_dma source(%arg2 : memref<800x128xf32, #tpu.memory_space<hbm>>) target(%arg4 : memref<800x128xf32, #tpu.memory_space<vmem>>) target_semaphore(%arg5 : memref<!tpu.dma_semaphore, #tpu.memory_space<semaphore_mem>>)
    tpu.wait_dma2 semaphore(%arg5 : memref<!tpu.dma_semaphore, #tpu.memory_space<semaphore_mem>>) src(%arg2 : memref<800x128xf32, #tpu.memory_space<hbm>>) dst(%arg4 : memref<800x128xf32, #tpu.memory_space<vmem>>)
    %add3A_3 = arith.constant 0 : i32
    %add3A_4 = arith.addi %mul3A_2, %add3A_3 : i32
    %mul3A_5 = arith.constant 100 : i32
    %mul3A_6 = arith.muli %add3A_4, %mul3A_5 : i32
    %dma_start3A = arith.constant 0 : i32
    %dma_start3A_7 = tpu.memref_slice %arg3[%mul3A_6, %dma_start3A] : memref<409600x128xf32, #tpu.memory_space<hbm>> -> memref<800x128xf32, #tpu.memory_space<hbm>>
    %dma_start3A_8 = arith.constant 0 : i32
    %dma_start3A_9 = tpu.memref_slice %arg3[%mul3A_6, %dma_start3A_8] : memref<409600x128xf32, #tpu.memory_space<hbm>> -> memref<800x128xf32, #tpu.memory_space<hbm>>
    tpu.enqueue_dma source(%arg4 : memref<800x128xf32, #tpu.memory_space<vmem>>) target(%dma_start3A_9 : memref<800x128xf32, #tpu.memory_space<hbm>>) target_semaphore(%arg6 : memref<!tpu.dma_semaphore, #tpu.memory_space<semaphore_mem>>)
    %add3A_10 = arith.constant 8 : i32
    %add3A_11 = arith.addi %mul3A_2, %add3A_10 : i32
    %mul3A_12 = arith.constant 100 : i32
    %mul3A_13 = arith.muli %add3A_11, %mul3A_12 : i32
    %dma_start3A_14 = arith.constant 0 : i32
    %dma_start3A_15 = tpu.memref_slice %arg3[%mul3A_13, %dma_start3A_14] : memref<409600x128xf32, #tpu.memory_space<hbm>> -> memref<800x128xf32, #tpu.memory_space<hbm>>
    %dma_start3A_16 = arith.constant 0 : i32
    %dma_start3A_17 = tpu.memref_slice %arg3[%mul3A_13, %dma_start3A_16] : memref<409600x128xf32, #tpu.memory_space<hbm>> -> memref<800x128xf32, #tpu.memory_space<hbm>>
    tpu.enqueue_dma source(%arg4 : memref<800x128xf32, #tpu.memory_space<vmem>>) target(%dma_start3A_17 : memref<800x128xf32, #tpu.memory_space<hbm>>) target_semaphore(%arg6 : memref<!tpu.dma_semaphore, #tpu.memory_space<semaphore_mem>>)
    %add3A_18 = arith.constant 16 : i32
    %add3A_19 = arith.addi %mul3A_2, %add3A_18 : i32
    %mul3A_20 = arith.constant 100 : i32
    %mul3A_21 = arith.muli %add3A_19, %mul3A_20 : i32
    %dma_start3A_22 = arith.constant 0 : i32
    %dma_start3A_23 = tpu.memref_slice %arg3[%mul3A_21, %dma_start3A_22] : memref<409600x128xf32, #tpu.memory_space<hbm>> -> memref<800x128xf32, #tpu.memory_space<hbm>>
    %dma_start3A_24 = arith.constant 0 : i32
    %dma_start3A_25 = tpu.memref_slice %arg3[%mul3A_21, %dma_start3A_24] : memref<409600x128xf32, #tpu.memory_space<hbm>> -> memref<800x128xf32, #tpu.memory_space<hbm>>
    tpu.enqueue_dma source(%arg4 : memref<800x128xf32, #tpu.memory_space<vmem>>) target(%dma_start3A_25 : memref<800x128xf32, #tpu.memory_space<hbm>>) target_semaphore(%arg6 : memref<!tpu.dma_semaphore, #tpu.memory_space<semaphore_mem>>)
    %add3A_26 = arith.constant 24 : i32
    %add3A_27 = arith.addi %mul3A_2, %add3A_26 : i32
    %mul3A_28 = arith.constant 100 : i32
    %mul3A_29 = arith.muli %add3A_27, %mul3A_28 : i32
    %dma_start3A_30 = arith.constant 0 : i32
    %dma_start3A_31 = tpu.memref_slice %arg3[%mul3A_29, %dma_start3A_30] : memref<409600x128xf32, #tpu.memory_space<hbm>> -> memref<800x128xf32, #tpu.memory_space<hbm>>
    %dma_start3A_32 = arith.constant 0 : i32
    %dma_start3A_33 = tpu.memref_slice %arg3[%mul3A_29, %dma_start3A_32] : memref<409600x128xf32, #tpu.memory_space<hbm>> -> memref<800x128xf32, #tpu.memory_space<hbm>>
    tpu.enqueue_dma source(%arg4 : memref<800x128xf32, #tpu.memory_space<vmem>>) target(%dma_start3A_33 : memref<800x128xf32, #tpu.memory_space<hbm>>) target_semaphore(%arg6 : memref<!tpu.dma_semaphore, #tpu.memory_space<semaphore_mem>>)
    %add3A_34 = arith.constant 32 : i32
    %add3A_35 = arith.addi %mul3A_2, %add3A_34 : i32
    %mul3A_36 = arith.constant 100 : i32
    %mul3A_37 = arith.muli %add3A_35, %mul3A_36 : i32
    %dma_start3A_38 = arith.constant 0 : i32
    %dma_start3A_39 = tpu.memref_slice %arg3[%mul3A_37, %dma_start3A_38] : memref<409600x128xf32, #tpu.memory_space<hbm>> -> memref<800x128xf32, #tpu.memory_space<hbm>>
    %dma_start3A_40 = arith.constant 0 : i32
    %dma_start3A_41 = tpu.memref_slice %arg3[%mul3A_37, %dma_start3A_40] : memref<409600x128xf32, #tpu.memory_space<hbm>> -> memref<800x128xf32, #tpu.memory_space<hbm>>
    tpu.enqueue_dma source(%arg4 : memref<800x128xf32, #tpu.memory_space<vmem>>) target(%dma_start3A_41 : memref<800x128xf32, #tpu.memory_space<hbm>>) target_semaphore(%arg6 : memref<!tpu.dma_semaphore, #tpu.memory_space<semaphore_mem>>)
    %add3A_42 = arith.constant 40 : i32
    %add3A_43 = arith.addi %mul3A_2, %add3A_42 : i32
    %mul3A_44 = arith.constant 100 : i32
    %mul3A_45 = arith.muli %add3A_43, %mul3A_44 : i32
    %dma_start3A_46 = arith.constant 0 : i32
    %dma_start3A_47 = tpu.memref_slice %arg3[%mul3A_45, %dma_start3A_46] : memref<409600x128xf32, #tpu.memory_space<hbm>> -> memref<800x128xf32, #tpu.memory_space<hbm>>
    %dma_start3A_48 = arith.constant 0 : i32
    %dma_start3A_49 = tpu.memref_slice %arg3[%mul3A_45, %dma_start3A_48] : memref<409600x128xf32, #tpu.memory_space<hbm>> -> memref<800x128xf32, #tpu.memory_space<hbm>>
    tpu.enqueue_dma source(%arg4 : memref<800x128xf32, #tpu.memory_space<vmem>>) target(%dma_start3A_49 : memref<800x128xf32, #tpu.memory_space<hbm>>) target_semaphore(%arg6 : memref<!tpu.dma_semaphore, #tpu.memory_space<semaphore_mem>>)
    %add3A_50 = arith.constant 48 : i32
    %add3A_51 = arith.addi %mul3A_2, %add3A_50 : i32
    %mul3A_52 = arith.constant 100 : i32
    %mul3A_53 = arith.muli %add3A_51, %mul3A_52 : i32
    %dma_start3A_54 = arith.constant 0 : i32
    %dma_start3A_55 = tpu.memref_slice %arg3[%mul3A_53, %dma_start3A_54] : memref<409600x128xf32, #tpu.memory_space<hbm>> -> memref<800x128xf32, #tpu.memory_space<hbm>>
    %dma_start3A_56 = arith.constant 0 : i32
    %dma_start3A_57 = tpu.memref_slice %arg3[%mul3A_53, %dma_start3A_56] : memref<409600x128xf32, #tpu.memory_space<hbm>> -> memref<800x128xf32, #tpu.memory_space<hbm>>
    tpu.enqueue_dma source(%arg4 : memref<800x128xf32, #tpu.memory_space<vmem>>) target(%dma_start3A_57 : memref<800x128xf32, #tpu.memory_space<hbm>>) target_semaphore(%arg6 : memref<!tpu.dma_semaphore, #tpu.memory_space<semaphore_mem>>)
    %add3A_58 = arith.constant 56 : i32
    %add3A_59 = arith.addi %mul3A_2, %add3A_58 : i32
    %mul3A_60 = arith.constant 100 : i32
    %mul3A_61 = arith.muli %add3A_59, %mul3A_60 : i32
    %dma_start3A_62 = arith.constant 0 : i32
    %dma_start3A_63 = tpu.memref_slice %arg3[%mul3A_61, %dma_start3A_62] : memref<409600x128xf32, #tpu.memory_space<hbm>> -> memref<800x128xf32, #tpu.memory_space<hbm>>
    %dma_start3A_64 = arith.constant 0 : i32
    %dma_start3A_65 = tpu.memref_slice %arg3[%mul3A_61, %dma_start3A_64] : memref<409600x128xf32, #tpu.memory_space<hbm>> -> memref<800x128xf32, #tpu.memory_space<hbm>>
    tpu.enqueue_dma source(%arg4 : memref<800x128xf32, #tpu.memory_space<vmem>>) target(%dma_start3A_65 : memref<800x128xf32, #tpu.memory_space<hbm>>) target_semaphore(%arg6 : memref<!tpu.dma_semaphore, #tpu.memory_space<semaphore_mem>>)
    %add3A_66 = arith.constant 64 : i32
    %add3A_67 = arith.addi %mul3A_2, %add3A_66 : i32
    %mul3A_68 = arith.constant 100 : i32
    %mul3A_69 = arith.muli %add3A_67, %mul3A_68 : i32
    %dma_start3A_70 = arith.constant 0 : i32
    %dma_start3A_71 = tpu.memref_slice %arg3[%mul3A_69, %dma_start3A_70] : memref<409600x128xf32, #tpu.memory_space<hbm>> -> memref<800x128xf32, #tpu.memory_space<hbm>>
    %dma_start3A_72 = arith.constant 0 : i32
    %dma_start3A_73 = tpu.memref_slice %arg3[%mul3A_69, %dma_start3A_72] : memref<409600x128xf32, #tpu.memory_space<hbm>> -> memref<800x128xf32, #tpu.memory_space<hbm>>
    tpu.enqueue_dma source(%arg4 : memref<800x128xf32, #tpu.memory_space<vmem>>) target(%dma_start3A_73 : memref<800x128xf32, #tpu.memory_space<hbm>>) target_semaphore(%arg6 : memref<!tpu.dma_semaphore, #tpu.memory_space<semaphore_mem>>)
    %add3A_74 = arith.constant 72 : i32
    %add3A_75 = arith.addi %mul3A_2, %add3A_74 : i32
    %mul3A_76 = arith.constant 100 : i32
    %mul3A_77 = arith.muli %add3A_75, %mul3A_76 : i32
    %dma_start3A_78 = arith.constant 0 : i32
    %dma_start3A_79 = tpu.memref_slice %arg3[%mul3A_77, %dma_start3A_78] : memref<409600x128xf32, #tpu.memory_space<hbm>> -> memref<800x128xf32, #tpu.memory_space<hbm>>
    %dma_start3A_80 = arith.constant 0 : i32
    %dma_start3A_81 = tpu.memref_slice %arg3[%mul3A_77, %dma_start3A_80] : memref<409600x128xf32, #tpu.memory_space<hbm>> -> memref<800x128xf32, #tpu.memory_space<hbm>>
    tpu.enqueue_dma source(%arg4 : memref<800x128xf32, #tpu.memory_space<vmem>>) target(%dma_start3A_81 : memref<800x128xf32, #tpu.memory_space<hbm>>) target_semaphore(%arg6 : memref<!tpu.dma_semaphore, #tpu.memory_space<semaphore_mem>>)
    %add3A_82 = arith.constant 80 : i32
    %add3A_83 = arith.addi %mul3A_2, %add3A_82 : i32
    %mul3A_84 = arith.constant 100 : i32
    %mul3A_85 = arith.muli %add3A_83, %mul3A_84 : i32
    %dma_start3A_86 = arith.constant 0 : i32
    %dma_start3A_87 = tpu.memref_slice %arg3[%mul3A_85, %dma_start3A_86] : memref<409600x128xf32, #tpu.memory_space<hbm>> -> memref<800x128xf32, #tpu.memory_space<hbm>>
    %dma_start3A_88 = arith.constant 0 : i32
    %dma_start3A_89 = tpu.memref_slice %arg3[%mul3A_85, %dma_start3A_88] : memref<409600x128xf32, #tpu.memory_space<hbm>> -> memref<800x128xf32, #tpu.memory_space<hbm>>
    tpu.enqueue_dma source(%arg4 : memref<800x128xf32, #tpu.memory_space<vmem>>) target(%dma_start3A_89 : memref<800x128xf32, #tpu.memory_space<hbm>>) target_semaphore(%arg6 : memref<!tpu.dma_semaphore, #tpu.memory_space<semaphore_mem>>)
    %add3A_90 = arith.constant 88 : i32
    %add3A_91 = arith.addi %mul3A_2, %add3A_90 : i32
    %mul3A_92 = arith.constant 100 : i32
    %mul3A_93 = arith.muli %add3A_91, %mul3A_92 : i32
    %dma_start3A_94 = arith.constant 0 : i32
    %dma_start3A_95 = tpu.memref_slice %arg3[%mul3A_93, %dma_start3A_94] : memref<409600x128xf32, #tpu.memory_space<hbm>> -> memref<800x128xf32, #tpu.memory_space<hbm>>
    %dma_start3A_96 = arith.constant 0 : i32
    %dma_start3A_97 = tpu.memref_slice %arg3[%mul3A_93, %dma_start3A_96] : memref<409600x128xf32, #tpu.memory_space<hbm>> -> memref<800x128xf32, #tpu.memory_space<hbm>>
    tpu.enqueue_dma source(%arg4 : memref<800x128xf32, #tpu.memory_space<vmem>>) target(%dma_start3A_97 : memref<800x128xf32, #tpu.memory_space<hbm>>) target_semaphore(%arg6 : memref<!tpu.dma_semaphore, #tpu.memory_space<semaphore_mem>>)
    %add3A_98 = arith.constant 96 : i32
    %add3A_99 = arith.addi %mul3A_2, %add3A_98 : i32
    %mul3A_100 = arith.constant 100 : i32
    %mul3A_101 = arith.muli %add3A_99, %mul3A_100 : i32
    %dma_start3A_102 = arith.constant 0 : i32
    %dma_start3A_103 = tpu.memref_slice %arg3[%mul3A_101, %dma_start3A_102] : memref<409600x128xf32, #tpu.memory_space<hbm>> -> memref<800x128xf32, #tpu.memory_space<hbm>>
    %dma_start3A_104 = arith.constant 0 : i32
    %dma_start3A_105 = tpu.memref_slice %arg3[%mul3A_101, %dma_start3A_104] : memref<409600x128xf32, #tpu.memory_space<hbm>> -> memref<800x128xf32, #tpu.memory_space<hbm>>
    tpu.enqueue_dma source(%arg4 : memref<800x128xf32, #tpu.memory_space<vmem>>) target(%dma_start3A_105 : memref<800x128xf32, #tpu.memory_space<hbm>>) target_semaphore(%arg6 : memref<!tpu.dma_semaphore, #tpu.memory_space<semaphore_mem>>)
    %add3A_106 = arith.constant 104 : i32
    %add3A_107 = arith.addi %mul3A_2, %add3A_106 : i32
    %mul3A_108 = arith.constant 100 : i32
    %mul3A_109 = arith.muli %add3A_107, %mul3A_108 : i32
    %dma_start3A_110 = arith.constant 0 : i32
    %dma_start3A_111 = tpu.memref_slice %arg3[%mul3A_109, %dma_start3A_110] : memref<409600x128xf32, #tpu.memory_space<hbm>> -> memref<800x128xf32, #tpu.memory_space<hbm>>
    %dma_start3A_112 = arith.constant 0 : i32
    %dma_start3A_113 = tpu.memref_slice %arg3[%mul3A_109, %dma_start3A_112] : memref<409600x128xf32, #tpu.memory_space<hbm>> -> memref<800x128xf32, #tpu.memory_space<hbm>>
    tpu.enqueue_dma source(%arg4 : memref<800x128xf32, #tpu.memory_space<vmem>>) target(%dma_start3A_113 : memref<800x128xf32, #tpu.memory_space<hbm>>) target_semaphore(%arg6 : memref<!tpu.dma_semaphore, #tpu.memory_space<semaphore_mem>>)
    %add3A_114 = arith.constant 112 : i32
    %add3A_115 = arith.addi %mul3A_2, %add3A_114 : i32
    %mul3A_116 = arith.constant 100 : i32
    %mul3A_117 = arith.muli %add3A_115, %mul3A_116 : i32
    %dma_start3A_118 = arith.constant 0 : i32
    %dma_start3A_119 = tpu.memref_slice %arg3[%mul3A_117, %dma_start3A_118] : memref<409600x128xf32, #tpu.memory_space<hbm>> -> memref<800x128xf32, #tpu.memory_space<hbm>>
    %dma_start3A_120 = arith.constant 0 : i32
    %dma_start3A_121 = tpu.memref_slice %arg3[%mul3A_117, %dma_start3A_120] : memref<409600x128xf32, #tpu.memory_space<hbm>> -> memref<800x128xf32, #tpu.memory_space<hbm>>
    tpu.enqueue_dma source(%arg4 : memref<800x128xf32, #tpu.memory_space<vmem>>) target(%dma_start3A_121 : memref<800x128xf32, #tpu.memory_space<hbm>>) target_semaphore(%arg6 : memref<!tpu.dma_semaphore, #tpu.memory_space<semaphore_mem>>)
    %add3A_122 = arith.constant 120 : i32
    %add3A_123 = arith.addi %mul3A_2, %add3A_122 : i32
    %mul3A_124 = arith.constant 100 : i32
    %mul3A_125 = arith.muli %add3A_123, %mul3A_124 : i32
    %dma_start3A_126 = arith.constant 0 : i32
    %dma_start3A_127 = tpu.memref_slice %arg3[%mul3A_125, %dma_start3A_126] : memref<409600x128xf32, #tpu.memory_space<hbm>> -> memref<800x128xf32, #tpu.memory_space<hbm>>
    %dma_start3A_128 = arith.constant 0 : i32
    %dma_start3A_129 = tpu.memref_slice %arg3[%mul3A_125, %dma_start3A_128] : memref<409600x128xf32, #tpu.memory_space<hbm>> -> memref<800x128xf32, #tpu.memory_space<hbm>>
    tpu.enqueue_dma source(%arg4 : memref<800x128xf32, #tpu.memory_space<vmem>>) target(%dma_start3A_129 : memref<800x128xf32, #tpu.memory_space<hbm>>) target_semaphore(%arg6 : memref<!tpu.dma_semaphore, #tpu.memory_space<semaphore_mem>>)
    %dma_wait3A = arith.constant 0 : i32
    %dma_wait3A_130 = tpu.memref_slice %arg3[%mul3A_6, %dma_wait3A] : memref<409600x128xf32, #tpu.memory_space<hbm>> -> memref<800x128xf32, #tpu.memory_space<hbm>>
    %dma_wait3A_131 = arith.constant 0 : i32
    %dma_wait3A_132 = tpu.memref_slice %arg3[%mul3A_6, %dma_wait3A_131] : memref<409600x128xf32, #tpu.memory_space<hbm>> -> memref<800x128xf32, #tpu.memory_space<hbm>>
    tpu.wait_dma2 semaphore(%arg6 : memref<!tpu.dma_semaphore, #tpu.memory_space<semaphore_mem>>) src(%arg4 : memref<800x128xf32, #tpu.memory_space<vmem>>) dst(%dma_wait3A_132 : memref<800x128xf32, #tpu.memory_space<hbm>>)
    %dma_wait3A_133 = arith.constant 0 : i32
    %dma_wait3A_134 = tpu.memref_slice %arg3[%mul3A_13, %dma_wait3A_133] : memref<409600x128xf32, #tpu.memory_space<hbm>> -> memref<800x128xf32, #tpu.memory_space<hbm>>
    %dma_wait3A_135 = arith.constant 0 : i32
    %dma_wait3A_136 = tpu.memref_slice %arg3[%mul3A_13, %dma_wait3A_135] : memref<409600x128xf32, #tpu.memory_space<hbm>> -> memref<800x128xf32, #tpu.memory_space<hbm>>
    tpu.wait_dma2 semaphore(%arg6 : memref<!tpu.dma_semaphore, #tpu.memory_space<semaphore_mem>>) src(%arg4 : memref<800x128xf32, #tpu.memory_space<vmem>>) dst(%dma_wait3A_136 : memref<800x128xf32, #tpu.memory_space<hbm>>)
    %dma_wait3A_137 = arith.constant 0 : i32
    %dma_wait3A_138 = tpu.memref_slice %arg3[%mul3A_21, %dma_wait3A_137] : memref<409600x128xf32, #tpu.memory_space<hbm>> -> memref<800x128xf32, #tpu.memory_space<hbm>>
    %dma_wait3A_139 = arith.constant 0 : i32
    %dma_wait3A_140 = tpu.memref_slice %arg3[%mul3A_21, %dma_wait3A_139] : memref<409600x128xf32, #tpu.memory_space<hbm>> -> memref<800x128xf32, #tpu.memory_space<hbm>>
    tpu.wait_dma2 semaphore(%arg6 : memref<!tpu.dma_semaphore, #tpu.memory_space<semaphore_mem>>) src(%arg4 : memref<800x128xf32, #tpu.memory_space<vmem>>) dst(%dma_wait3A_140 : memref<800x128xf32, #tpu.memory_space<hbm>>)
    %dma_wait3A_141 = arith.constant 0 : i32
    %dma_wait3A_142 = tpu.memref_slice %arg3[%mul3A_29, %dma_wait3A_141] : memref<409600x128xf32, #tpu.memory_space<hbm>> -> memref<800x128xf32, #tpu.memory_space<hbm>>
    %dma_wait3A_143 = arith.constant 0 : i32
    %dma_wait3A_144 = tpu.memref_slice %arg3[%mul3A_29, %dma_wait3A_143] : memref<409600x128xf32, #tpu.memory_space<hbm>> -> memref<800x128xf32, #tpu.memory_space<hbm>>
    tpu.wait_dma2 semaphore(%arg6 : memref<!tpu.dma_semaphore, #tpu.memory_space<semaphore_mem>>) src(%arg4 : memref<800x128xf32, #tpu.memory_space<vmem>>) dst(%dma_wait3A_144 : memref<800x128xf32, #tpu.memory_space<hbm>>)
    %dma_wait3A_145 = arith.constant 0 : i32
    %dma_wait3A_146 = tpu.memref_slice %arg3[%mul3A_37, %dma_wait3A_145] : memref<409600x128xf32, #tpu.memory_space<hbm>> -> memref<800x128xf32, #tpu.memory_space<hbm>>
    %dma_wait3A_147 = arith.constant 0 : i32
    %dma_wait3A_148 = tpu.memref_slice %arg3[%mul3A_37, %dma_wait3A_147] : memref<409600x128xf32, #tpu.memory_space<hbm>> -> memref<800x128xf32, #tpu.memory_space<hbm>>
    tpu.wait_dma2 semaphore(%arg6 : memref<!tpu.dma_semaphore, #tpu.memory_space<semaphore_mem>>) src(%arg4 : memref<800x128xf32, #tpu.memory_space<vmem>>) dst(%dma_wait3A_148 : memref<800x128xf32, #tpu.memory_space<hbm>>)
    %dma_wait3A_149 = arith.constant 0 : i32
    %dma_wait3A_150 = tpu.memref_slice %arg3[%mul3A_45, %dma_wait3A_149] : memref<409600x128xf32, #tpu.memory_space<hbm>> -> memref<800x128xf32, #tpu.memory_space<hbm>>
    %dma_wait3A_151 = arith.constant 0 : i32
    %dma_wait3A_152 = tpu.memref_slice %arg3[%mul3A_45, %dma_wait3A_151] : memref<409600x128xf32, #tpu.memory_space<hbm>> -> memref<800x128xf32, #tpu.memory_space<hbm>>
    tpu.wait_dma2 semaphore(%arg6 : memref<!tpu.dma_semaphore, #tpu.memory_space<semaphore_mem>>) src(%arg4 : memref<800x128xf32, #tpu.memory_space<vmem>>) dst(%dma_wait3A_152 : memref<800x128xf32, #tpu.memory_space<hbm>>)
    %dma_wait3A_153 = arith.constant 0 : i32
    %dma_wait3A_154 = tpu.memref_slice %arg3[%mul3A_53, %dma_wait3A_153] : memref<409600x128xf32, #tpu.memory_space<hbm>> -> memref<800x128xf32, #tpu.memory_space<hbm>>
    %dma_wait3A_155 = arith.constant 0 : i32
    %dma_wait3A_156 = tpu.memref_slice %arg3[%mul3A_53, %dma_wait3A_155] : memref<409600x128xf32, #tpu.memory_space<hbm>> -> memref<800x128xf32, #tpu.memory_space<hbm>>
    tpu.wait_dma2 semaphore(%arg6 : memref<!tpu.dma_semaphore, #tpu.memory_space<semaphore_mem>>) src(%arg4 : memref<800x128xf32, #tpu.memory_space<vmem>>) dst(%dma_wait3A_156 : memref<800x128xf32, #tpu.memory_space<hbm>>)
    %dma_wait3A_157 = arith.constant 0 : i32
    %dma_wait3A_158 = tpu.memref_slice %arg3[%mul3A_61, %dma_wait3A_157] : memref<409600x128xf32, #tpu.memory_space<hbm>> -> memref<800x128xf32, #tpu.memory_space<hbm>>
    %dma_wait3A_159 = arith.constant 0 : i32
    %dma_wait3A_160 = tpu.memref_slice %arg3[%mul3A_61, %dma_wait3A_159] : memref<409600x128xf32, #tpu.memory_space<hbm>> -> memref<800x128xf32, #tpu.memory_space<hbm>>
    tpu.wait_dma2 semaphore(%arg6 : memref<!tpu.dma_semaphore, #tpu.memory_space<semaphore_mem>>) src(%arg4 : memref<800x128xf32, #tpu.memory_space<vmem>>) dst(%dma_wait3A_160 : memref<800x128xf32, #tpu.memory_space<hbm>>)
    %dma_wait3A_161 = arith.constant 0 : i32
    %dma_wait3A_162 = tpu.memref_slice %arg3[%mul3A_69, %dma_wait3A_161] : memref<409600x128xf32, #tpu.memory_space<hbm>> -> memref<800x128xf32, #tpu.memory_space<hbm>>
    %dma_wait3A_163 = arith.constant 0 : i32
    %dma_wait3A_164 = tpu.memref_slice %arg3[%mul3A_69, %dma_wait3A_163] : memref<409600x128xf32, #tpu.memory_space<hbm>> -> memref<800x128xf32, #tpu.memory_space<hbm>>
    tpu.wait_dma2 semaphore(%arg6 : memref<!tpu.dma_semaphore, #tpu.memory_space<semaphore_mem>>) src(%arg4 : memref<800x128xf32, #tpu.memory_space<vmem>>) dst(%dma_wait3A_164 : memref<800x128xf32, #tpu.memory_space<hbm>>)
    %dma_wait3A_165 = arith.constant 0 : i32
    %dma_wait3A_166 = tpu.memref_slice %arg3[%mul3A_77, %dma_wait3A_165] : memref<409600x128xf32, #tpu.memory_space<hbm>> -> memref<800x128xf32, #tpu.memory_space<hbm>>
    %dma_wait3A_167 = arith.constant 0 : i32
    %dma_wait3A_168 = tpu.memref_slice %arg3[%mul3A_77, %dma_wait3A_167] : memref<409600x128xf32, #tpu.memory_space<hbm>> -> memref<800x128xf32, #tpu.memory_space<hbm>>
    tpu.wait_dma2 semaphore(%arg6 : memref<!tpu.dma_semaphore, #tpu.memory_space<semaphore_mem>>) src(%arg4 : memref<800x128xf32, #tpu.memory_space<vmem>>) dst(%dma_wait3A_168 : memref<800x128xf32, #tpu.memory_space<hbm>>)
    %dma_wait3A_169 = arith.constant 0 : i32
    %dma_wait3A_170 = tpu.memref_slice %arg3[%mul3A_85, %dma_wait3A_169] : memref<409600x128xf32, #tpu.memory_space<hbm>> -> memref<800x128xf32, #tpu.memory_space<hbm>>
    %dma_wait3A_171 = arith.constant 0 : i32
    %dma_wait3A_172 = tpu.memref_slice %arg3[%mul3A_85, %dma_wait3A_171] : memref<409600x128xf32, #tpu.memory_space<hbm>> -> memref<800x128xf32, #tpu.memory_space<hbm>>
    tpu.wait_dma2 semaphore(%arg6 : memref<!tpu.dma_semaphore, #tpu.memory_space<semaphore_mem>>) src(%arg4 : memref<800x128xf32, #tpu.memory_space<vmem>>) dst(%dma_wait3A_172 : memref<800x128xf32, #tpu.memory_space<hbm>>)
    %dma_wait3A_173 = arith.constant 0 : i32
    %dma_wait3A_174 = tpu.memref_slice %arg3[%mul3A_93, %dma_wait3A_173] : memref<409600x128xf32, #tpu.memory_space<hbm>> -> memref<800x128xf32, #tpu.memory_space<hbm>>
    %dma_wait3A_175 = arith.constant 0 : i32
    %dma_wait3A_176 = tpu.memref_slice %arg3[%mul3A_93, %dma_wait3A_175] : memref<409600x128xf32, #tpu.memory_space<hbm>> -> memref<800x128xf32, #tpu.memory_space<hbm>>
    tpu.wait_dma2 semaphore(%arg6 : memref<!tpu.dma_semaphore, #tpu.memory_space<semaphore_mem>>) src(%arg4 : memref<800x128xf32, #tpu.memory_space<vmem>>) dst(%dma_wait3A_176 : memref<800x128xf32, #tpu.memory_space<hbm>>)
    %dma_wait3A_177 = arith.constant 0 : i32
    %dma_wait3A_178 = tpu.memref_slice %arg3[%mul3A_101, %dma_wait3A_177] : memref<409600x128xf32, #tpu.memory_space<hbm>> -> memref<800x128xf32, #tpu.memory_space<hbm>>
    %dma_wait3A_179 = arith.constant 0 : i32
    %dma_wait3A_180 = tpu.memref_slice %arg3[%mul3A_101, %dma_wait3A_179] : memref<409600x128xf32, #tpu.memory_space<hbm>> -> memref<800x128xf32, #tpu.memory_space<hbm>>
    tpu.wait_dma2 semaphore(%arg6 : memref<!tpu.dma_semaphore, #tpu.memory_space<semaphore_mem>>) src(%arg4 : memref<800x128xf32, #tpu.memory_space<vmem>>) dst(%dma_wait3A_180 : memref<800x128xf32, #tpu.memory_space<hbm>>)
    %dma_wait3A_181 = arith.constant 0 : i32
    %dma_wait3A_182 = tpu.memref_slice %arg3[%mul3A_109, %dma_wait3A_181] : memref<409600x128xf32, #tpu.memory_space<hbm>> -> memref<800x128xf32, #tpu.memory_space<hbm>>
    %dma_wait3A_183 = arith.constant 0 : i32
    %dma_wait3A_184 = tpu.memref_slice %arg3[%mul3A_109, %dma_wait3A_183] : memref<409600x128xf32, #tpu.memory_space<hbm>> -> memref<800x128xf32, #tpu.memory_space<hbm>>
    tpu.wait_dma2 semaphore(%arg6 : memref<!tpu.dma_semaphore, #tpu.memory_space<semaphore_mem>>) src(%arg4 : memref<800x128xf32, #tpu.memory_space<vmem>>) dst(%dma_wait3A_184 : memref<800x128xf32, #tpu.memory_space<hbm>>)
    %dma_wait3A_185 = arith.constant 0 : i32
    %dma_wait3A_186 = tpu.memref_slice %arg3[%mul3A_117, %dma_wait3A_185] : memref<409600x128xf32, #tpu.memory_space<hbm>> -> memref<800x128xf32, #tpu.memory_space<hbm>>
    %dma_wait3A_187 = arith.constant 0 : i32
    %dma_wait3A_188 = tpu.memref_slice %arg3[%mul3A_117, %dma_wait3A_187] : memref<409600x128xf32, #tpu.memory_space<hbm>> -> memref<800x128xf32, #tpu.memory_space<hbm>>
    tpu.wait_dma2 semaphore(%arg6 : memref<!tpu.dma_semaphore, #tpu.memory_space<semaphore_mem>>) src(%arg4 : memref<800x128xf32, #tpu.memory_space<vmem>>) dst(%dma_wait3A_188 : memref<800x128xf32, #tpu.memory_space<hbm>>)
    %dma_wait3A_189 = arith.constant 0 : i32
    %dma_wait3A_190 = tpu.memref_slice %arg3[%mul3A_125, %dma_wait3A_189] : memref<409600x128xf32, #tpu.memory_space<hbm>> -> memref<800x128xf32, #tpu.memory_space<hbm>>
    %dma_wait3A_191 = arith.constant 0 : i32
    %dma_wait3A_192 = tpu.memref_slice %arg3[%mul3A_125, %dma_wait3A_191] : memref<409600x128xf32, #tpu.memory_space<hbm>> -> memref<800x128xf32, #tpu.memory_space<hbm>>
    tpu.wait_dma2 semaphore(%arg6 : memref<!tpu.dma_semaphore, #tpu.memory_space<semaphore_mem>>) src(%arg4 : memref<800x128xf32, #tpu.memory_space<vmem>>) dst(%dma_wait3A_192 : memref<800x128xf32, #tpu.memory_space<hbm>>)
    return
  }
}

</mosaic_0001>

<sc_bundles>
// kernel: kernel.3.cloned.1.call-start
scs
__scs_entry_jumppad:
0x0: {  	(pc) =	sbr.rel $0x88, $3  }
0x1: {  	(tag) =	ssettag $0x0;
	lr =	simm.s32 $0x1  }
0x2: {  	[smem:$0x3FA0] =	sst lr;
	_ =	strace $0xD0000000  }
0x3: {  	_ = 	snop  }
0x4: {  	_ = 	snop  }
0x5: {  	_ = 	snop  }
0x6: {  	_ = 	snop  }
0x7: {  	_ = 	snop  }
__scs_overlays_trampoline_lowered:
0x8: {  	[smem:$0x3FAF] =	sst s0  }
0x9: {  	[smem:$0x3FB0] =	sst s1  }
0xa: {  	[smem:$0x3FB1] =	sst s2  }
0xb: {  	[smem:$0x3FB2] =	sst s3  }
0xc: {  	[smem:$0x3FB3] =	sst s4  }
0xd: {  	[smem:$0x3FB4] =	sst s5  }
0xe: {  	[smem:$0x3FB5] =	sst s6  }
0xf: {  	[smem:$0x3FB6] =	sst s7  }
0x10: {  	[smem:$0x3FB7] =	sst s8  }
0x11: {  	[smem:$0x3FB8] =	sst s9;
	s0 =	simm.s32 @!p0 $0x0  }
0x12: {  	s1 =	sld [smem:$0x3F9E];
	s0 =	simm.s32 @p0 $0x1  }
0x13: {  	[smem:$0x3FB9] =	sst s0;
	s0 =	simm.s32 @!p1 $0x0  }
0x14: {  	s2 =	sld [smem:$0x3F9D];
	s0 =	simm.s32 @p1 $0x1  }
0x15: {  	[smem:$0x3FBA] =	sst s0;
	s0 =	simm.s32 @!p2 $0x0  }
0x16: {  	s3 =	sld [smem:$0x3FDB];
	s0 =	simm.s32 @p2 $0x1  }
0x17: {  	s4 =	simm.s32 $0x1BF5;
	[smem:$0x3FBC] =	sst s0  }
0x18: {  	s0 =	sld [smem:$0x3F9F];
	_ =	swait.ge [sflag:s4], $0x0  }
0x19: {  	s7 =	sld [smem:$0x3FA0]  }
0x1a: {  	s8 =	sadd.s32 $0xFFFFE003, lr  }
0x1b: {  	s9 =	sadd.s32 $0xFFFFFEF7, lr;
	s5 =	simm.s32 $0xFFFFFFFF;
	p2 =	slt.u32 s8, $0xFFFFF086  }
0x1c: {  	p1 =	slt.u32 s9, $0xF7A;
	s5 =	simm.s32 @!p2 $0x0  }
0x1d: {  	s5 =	simm.s32 @p1 $0x1;
	p0 =	seq.s32 s7, s2  }
0x1e: {  	s7 =	smul.u32 @!p0 $0xF7A, s2;
	p2 =	seq.s32 @!p0 s5, $0x0  }
0x1f: {  	s9 =	smul.u32 $0xF7A, s1;
	s8 =	simm.s32 @!p0 $0x1BF5;
	p2 =	por !p2, p0  }
0x20: {  	[sflag:s8] =	ssyncset.s32 @!p0 $0xFFFFF086;
	s6 =	sadd.s32 @!p0 s3, s7;
	s7 =	simm.s32 @!p0 $0x108  }
0x21: {  	s3 =	sadd.s32 s3, s9;
	s6 =	sadd.s32 @!p0 $0x88, s6;
	s7 =	simm.s32 @p2 $0x1082  }
0x22: {  	[simem:s7], [sflag:s8] =	dma.local @!p0 [hbm:s6], $0xF7A  }
0x23: {  	s9 =	sor.u32 $0xD0000000, s2;
	s6 =	simm.s32 $0x108;
	_ =	swait.ge @!p0 [sflag:s8], $0x0  }
0x24: {  	s3 =	sadd.s32 $0x88, s3;
	s6 =	simm.s32 @!p1 $0x1082;
	[sflag:s4] =	ssyncset.s32 $0xFFFFF086  }
0x25: {  	[simem:s6], [sflag:s4] =	dma.local [hbm:s3], $0xF7A  }
0x26: {  	[smem:$0x3FA0] =	sst s1;
	(tag) =	ssettag s2;
	_ =	strace s9  }
0x27: {  	s1 =	sld [smem:$0x3FB0]  }
0x28: {  	s2 =	sld [smem:$0x3FB1]  }
0x29: {  	s4 =	sld [smem:$0x3FB3]  }
0x2a: {  	p0 =	seq.s32 s5, $0x0;
	s5 =	sld [smem:$0x3FB4]  }
0x2b: {  	s6 =	sld [smem:$0x3FB5]  }
0x2c: {  	s7 =	sld [smem:$0x3FB6]  }
0x2d: {  	s3 =	simm.s32 $0x108;
	s8 =	sld [smem:$0x3FB7]  }
0x2e: {  	s3 =	simm.s32 @!p0 $0x1082;
	s9 =	sld [smem:$0x3FB8]  }
0x2f: {  	lr =	sadd.s32 s0, s3;
	s0 =	sld [smem:$0x3FAF]  }
0x30: {  	s3 =	sld [smem:$0x3FB2]  }
0x31: {  	[smem:$0x3FBB] =	sst s10  }
0x32: {  	s10 =	sld [smem:$0x3FB9];
	_ =	sdelay $0x3  }
0x33: {  	p0 =	seq.s32 s10, $0x1;
	s10 =	sld [smem:$0x3FBB];
	_ =	sdelay $0x3  }
0x34: {  	[smem:$0x3FBB] =	sst s10  }
0x35: {  	s10 =	sld [smem:$0x3FBA];
	_ =	sdelay $0x3  }
0x36: {  	p1 =	seq.s32 s10, $0x1;
	s10 =	sld [smem:$0x3FBB];
	_ =	sdelay $0x3  }
0x37: {  	[smem:$0x3FBB] =	sst s10  }
0x38: {  	s10 =	sld [smem:$0x3FBC]  }
0x39: {  	_ = 	snop;
	(pc) =	sbr.ind lr, $3  }
0x3a: {  	_ = 	snop  }
0x3b: {  	_ = 	snop  }
0x3c: {  	p2 =	seq.s32 s10, $0x1;
	s10 =	sld [smem:$0x3FBB]  }
0x3d: {  	_ =	shalt  }
0x3e: {  	_ =	shalt  }
0x3f: {  	_ =	shalt  }
0x40: {  	_ =	shalt  }
0x41: {  	_ =	shalt  }
0x42: {  	_ =	shalt  }
0x43: {  	_ =	shalt  }
0x44: {  	_ =	shalt  }
0x45: {  	_ =	shalt  }
0x46: {  	_ =	shalt  }
0x47: {  	_ =	shalt  }
0x48: {  	_ =	shalt  }
0x49: {  	_ =	shalt  }
0x4a: {  	_ =	shalt  }
0x4b: {  	_ =	shalt  }
0x4c: {  	_ =	shalt  }
0x4d: {  	_ =	shalt  }
0x4e: {  	_ =	shalt  }
0x4f: {  	_ =	shalt  }
0x50: {  	_ =	shalt  }
0x51: {  	_ =	shalt  }
0x52: {  	_ =	shalt  }
0x53: {  	_ =	shalt  }
0x54: {  	_ =	shalt  }
0x55: {  	_ =	shalt  }
0x56: {  	_ =	shalt  }
0x57: {  	_ =	shalt  }
0x58: {  	_ =	shalt  }
0x59: {  	_ =	shalt  }
0x5a: {  	_ =	shalt  }
0x5b: {  	_ =	shalt  }
0x5c: {  	_ =	shalt  }
0x5d: {  	_ =	shalt  }
0x5e: {  	_ =	shalt  }
0x5f: {  	_ =	shalt  }
0x60: {  	_ =	shalt  }
0x61: {  	_ =	shalt  }
0x62: {  	_ =	shalt  }
0x63: {  	_ =	shalt  }
0x64: {  	_ =	shalt  }
0x65: {  	_ =	shalt  }
0x66: {  	_ =	shalt  }
0x67: {  	_ =	shalt  }
0x68: {  	_ =	shalt  }
0x69: {  	_ =	shalt  }
0x6a: {  	_ =	shalt  }
0x6b: {  	_ =	shalt  }
0x6c: {  	_ =	shalt  }
0x6d: {  	_ =	shalt  }
0x6e: {  	_ =	shalt  }
0x6f: {  	_ =	shalt  }
0x70: {  	_ =	shalt  }
0x71: {  	_ =	shalt  }
0x72: {  	_ =	shalt  }
0x73: {  	_ =	shalt  }
0x74: {  	_ =	shalt  }
0x75: {  	_ =	shalt  }
0x76: {  	_ =	shalt  }
0x77: {  	_ =	shalt  }
0x78: {  	_ =	shalt  }
0x79: {  	_ =	shalt  }
0x7a: {  	_ =	shalt  }
0x7b: {  	_ =	shalt  }
0x7c: {  	_ =	shalt  }
0x7d: {  	_ =	shalt  }
0x7e: {  	_ =	shalt  }
0x7f: {  	_ =	shalt  }
0x80: {  	_ =	shalt  }
0x81: {  	_ =	shalt  }
0x82: {  	_ =	shalt  }
0x83: {  	_ =	shalt  }
0x84: {  	_ =	shalt  }
0x85: {  	_ =	shalt  }
0x86: {  	_ =	shalt  }
0x87: {  	_ =	shalt  }
.Lfunc_end0:
.L_simem_size_0:
called_computation.1_lowered:
.L_overlay_start_0:
0x88: {  	s2 =	sld [smem:$0x3FD9]  }
0x89: {  	s3 =	sld [smem:$0x3FFE];
	_ =	sdelay $0x1  }
0x8a: {  	s1 =	srdreg.scid  }
0x8b: {  	s0 =	sand.u32 $0x1, s1  }
0x8c: {  	s17 =	sshll.u32 s0, $0xA;
	s2 =	sadd.s32 s3, s2  }
0x8d: {  	s2 =	sadd.s32 s2, s17  }
0x8e: {  	[smem:$0x3FC7] =	sst s2  }
0x8f: {  	_ = 	snop  }
0x90: {  	s2 =	sld [smem:$0x3FD0];
	(tm) =	ssettm $0x1  }
0x91: {  	s18 =	sld [smem:$0x3FFB];
	_ =	sdelay $0x3  }
0x92: {  	_ =	strace s18  }
0x93: {  	s3 =	sld [smem:$0x3FFC];
	_ =	sdelay $0x3  }
0x94: {  	_ =	strace s3  }
0x95: {  	s3 =	sld [smem:$0x3FFD];
	_ =	sdelay $0x3  }
0x96: {  	_ =	strace s3  }
0x97: {  	_ =	strace $0x8FFFFFFF  }
0x98: {  	s19 =	sld [smem:$0x3FDB];
	_ =	sdelay $0x1  }
0x99: {  	s4 =	simm.s32 $_scs_section_size  }
0x9a: {  	s5 =	simm.s32 $_size__tile_overlayer_lowered;
	s6 =	simm.s32 $_tile_overlayer_lowered  }
0x9b: {  	s22 =	simm.s32 $0x1BFF;
	s21 =	sshll.u32 s6, $0x1;
	s3 =	sadd.s32 s4, s19  }
0x9c: {  	s7 =	simm.s32 $0x0;
	s20 =	sshll.u32 s5, $0x1;
	s5 =	sadd.s32 s21, s3  }
0x9d: {  	[timem:s7], [sflag:s22] =	dma.local [hbm:s5], s20  }
0x9e: {  	_ =	swait.ge [sflag:s22], s20  }
0x9f: {  	s4 =	ssub.s32 $0x0, s20;
	[sflag:s22] =	ssyncset.done $0x0  }
0xa0: {  	[sflag:s22] =	ssyncadd.s32 s4;
	_ =	sdelay $0x1  }
0xa1: {  	s23 =	simm.s32 $0x1B8B  }
0xa2: {  	_ =	swait.ge [sflag:s23], $0x1  }
0xa3: {  	[sflag:s23] =	ssyncset.done $0x0  }
0xa4: {  	s25 =	simm.s32 $0x1B8E;
	s24 =	sld [smem:$0x3FFE];
	[sflag:s23] =	ssyncadd.s32 $0xFFFFFFFF  }
0xa5: {  	s26 =	simm.s32 $execute0_lowered;
	[smem:$0x3FD2] =	sst s25  }
0xa6: {  	s5 =	sshll.u32 s26, $0x1;
	_ =	strace $0x80000046;
	[dreg:$0x1] =	wrdreg $0xFFFFFFFF  }
0xa7: {  	s28 =	simm.s32 $_size_execute0_lowered;
	s3 =	sadd.s32 s3, s5;
	[dreg:$0x0] =	wrdreg $0x0  }
0xa8: {  	s5 =	sshll.u32 s28, $0x1;
	[dreg:$0x2] =	wrdreg s3  }
0xa9: {  	[dreg:$0x3] =	wrdreg s5  }
0xaa: {  	[dreg:$0x4] =	wrdreg $0xC0  }
0xab: {  	_ =	task [dreg:s7], $0x5FFFF  }
0xac: {  	[dreg:$0x1] =	wrdreg $0xFFFFFFFF  }
0xad: {  	[dreg:$0x0] =	wrdreg $0x60  }
0xae: {  	[dreg:$0x2] =	wrdreg s24  }
0xaf: {  	[dreg:$0x3] =	wrdreg s2  }
0xb0: {  	[dreg:$0x4] =	wrdreg $0x9  }
0xb1: {  	_ =	task.clear_ibuf [dreg:s7], $0x5FFFF;
	_ =	strace $0x90000046  }
0xb2: {  	s29 =	simm.s32 $0x9;
	_ =	strace $0x80000048  }
0xb3: {  	_ =	swait.ge [sflag:s29], $0x1  }
0xb4: {  	[sflag:s29] =	ssyncadd.s32 $0xFFFFFFFF  }
0xb5: {  	_ =	strace $0x90000048  }
0xb6: {  	_ =	sfence  }
0xb7: {  	s30 =	sld [smem:$0x0];
	_ =	sdelay $0x2  }
0xb8: {  	s31 =	sshll.u32 s1, $0xD;
	s1 =	sshrl.u32 s1, $0x2  }
0xb9: {  	s3 =	sand.u32 $0x4000, s31;
	s1 =	sadd.s32 s1, s30  }
0xba: {  	s0 =	sor.u32 s3, s0;
	s1 =	sshll.u32 s1, $0x11  }
0xbb: {  	s0 =	sor.u32 s1, s0  }
0xbc: {  	s0 =	sadd.s32 $0x8F2B, s0  }
0xbd: {  	[sflag:s0] =	ssyncadd.remote.s32 $0x1  }
0xbe: {  	_ =	sfence.sel $0xFFFF  }
0xbf: {  	[dreg:$0x0] =	wrdreg $0xFFFFFFFF;
	(pc) =	sbr.abs _section_cstart, $3  }
0xc0: {  	[dreg:$0x1] =	wrdreg $0xFFFFFFFF  }
0xc1: {  	_ =	task.clear_ibuf [dreg:s7], $0x2FFFF;
	_ =	strace $0x9FFFFFFF  }
0xc2: {  	(tm) =	ssettm $0x7FFFFFFF  }
0xc3: {  	_ =	shalt  }
tec
execute0_lowered:
.L_overlay_start_1:
0x0: {  	(tag) =	ssettag $0x1  }
0x1: {  	s3 =	rddreg [dreg:$0x0]  }
0x2: {  	s6 =	rddreg [dreg:$0x1]  }
0x3: {  	s0 =	rddreg [dreg:$0x2]  }
0x4: {  	s4 =	srdreg.scid;
	s1 =	stileid.u32  }
0x5: {  	s2 =	simm.s32 $0x0;
	s22 =	sand.u32 $0x1, s4;
	s31 =	sshll.u32 s1, $0x1  }
0x6: {  	[smem:$0x7FF] =	sst s2;
	s3 =	sadd.s32 $0x800, s3;
	s5 =	sor.u32 s22, s31  }
0x7: {  	s4 =	simm.s32 $0x1;
	_ =	strace $0x80000047;
	s7 =	smul.u32 $0x190000, s5  }
0x8: {  	[tilespmem:s2], [sflag:$0x1] =	stream.linear.gather [hbm4b:s3+s2], $0x19000, $0x38;
	[tilespmem:$0x19000] =	vst v63  }
0x9: {  	s5 =	smul.u32 $0x32000, s5;
	_ =	swait.ge [sflag:s4], $0x19000  }
0xa: {  	s7 =	sshrl.u32 s7, $0x3;
	[sflag:s4] =	ssyncset.done $0x0  }
0xb: {  	s5 =	sadd.s32 s6, s5;
	s20 =	sadd.s32 s6, s7;
	[sflag:s4] =	ssyncadd.s32 $0xFFFE7000  }
0xc: {  	[hbm4b:s5+s2] =	stream.linear.scatter [tilespmem:s2], [sflag:$0x2], $0x19000, $0x38;
	[tilespmem:$0x19000] =	vst v63  }
0xd: {  	s6 =	sadd.s32 $0x3200, s20  }
0xe: {  	[hbm4b:s6+s2] =	stream.linear.scatter [tilespmem:s2], [sflag:$0x2], $0x19000, $0x38;
	[tilespmem:$0x19000] =	vst v63  }
0xf: {  	s7 =	sadd.s32 $0x6400, s20  }
0x10: {  	[hbm4b:s7+s2] =	stream.linear.scatter [tilespmem:s2], [sflag:$0x2], $0x19000, $0x38;
	[tilespmem:$0x19000] =	vst v63  }
0x11: {  	s8 =	sadd.s32 $0x9600, s20  }
0x12: {  	[hbm4b:s8+s2] =	stream.linear.scatter [tilespmem:s2], [sflag:$0x2], $0x19000, $0x38;
	[tilespmem:$0x19000] =	vst v63  }
0x13: {  	s9 =	sadd.s32 $0xC800, s20  }
0x14: {  	[hbm4b:s9+s2] =	stream.linear.scatter [tilespmem:s2], [sflag:$0x2], $0x19000, $0x38;
	[tilespmem:$0x19000] =	vst v63  }
0x15: {  	s10 =	sadd.s32 $0xFA00, s20  }
0x16: {  	[hbm4b:s10+s2] =	stream.linear.scatter [tilespmem:s2], [sflag:$0x2], $0x19000, $0x38;
	[tilespmem:$0x19000] =	vst v63  }
0x17: {  	s11 =	sadd.s32 $0x12C00, s20  }
0x18: {  	[hbm4b:s11+s2] =	stream.linear.scatter [tilespmem:s2], [sflag:$0x2], $0x19000, $0x38;
	[tilespmem:$0x19000] =	vst v63  }
0x19: {  	s12 =	sadd.s32 $0x15E00, s20  }
0x1a: {  	[hbm4b:s12+s2] =	stream.linear.scatter [tilespmem:s2], [sflag:$0x2], $0x19000, $0x38;
	[tilespmem:$0x19000] =	vst v63  }
0x1b: {  	s13 =	sadd.s32 $0x19000, s20  }
0x1c: {  	[hbm4b:s13+s2] =	stream.linear.scatter [tilespmem:s2], [sflag:$0x2], $0x19000, $0x38;
	[tilespmem:$0x19000] =	vst v63  }
0x1d: {  	s14 =	sadd.s32 $0x1C200, s20  }
0x1e: {  	[hbm4b:s14+s2] =	stream.linear.scatter [tilespmem:s2], [sflag:$0x2], $0x19000, $0x38;
	[tilespmem:$0x19000] =	vst v63  }
0x1f: {  	s15 =	sadd.s32 $0x1F400, s20  }
0x20: {  	[hbm4b:s15+s2] =	stream.linear.scatter [tilespmem:s2], [sflag:$0x2], $0x19000, $0x38;
	[tilespmem:$0x19000] =	vst v63  }
0x21: {  	s16 =	sadd.s32 $0x22600, s20  }
0x22: {  	[hbm4b:s16+s2] =	stream.linear.scatter [tilespmem:s2], [sflag:$0x2], $0x19000, $0x38;
	[tilespmem:$0x19000] =	vst v63  }
0x23: {  	s17 =	sadd.s32 $0x25800, s20  }
0x24: {  	[hbm4b:s17+s2] =	stream.linear.scatter [tilespmem:s2], [sflag:$0x2], $0x19000, $0x38;
	[tilespmem:$0x19000] =	vst v63  }
0x25: {  	s18 =	sadd.s32 $0x28A00, s20  }
0x26: {  	[hbm4b:s18+s2] =	stream.linear.scatter [tilespmem:s2], [sflag:$0x2], $0x19000, $0x38;
	[tilespmem:$0x19000] =	vst v63  }
0x27: {  	s19 =	sadd.s32 $0x2BC00, s20  }
0x28: {  	[hbm4b:s19+s2] =	stream.linear.scatter [tilespmem:s2], [sflag:$0x2], $0x19000, $0x38;
	[tilespmem:$0x19000] =	vst v63  }
0x29: {  	s21 =	sadd.s32 $0x2EE00, s20;
	s20 =	simm.s32 $0x2  }
0x2a: {  	[hbm4b:s21+s2] =	stream.linear.scatter [tilespmem:s2], [sflag:$0x2], $0x19000, $0x38;
	[tilespmem:$0x19000] =	vst v63  }
0x2b: {  	_ =	swait.ge [sflag:s20], $0x19000  }
0x2c: {  	[sflag:s20] =	ssyncset.done $0x0  }
0x2d: {  	[sflag:s20] =	ssyncadd.s32 $0xFFFE7000  }
0x2e: {  	_ =	swait.ge [sflag:s20], $0x19000  }
0x2f: {  	[sflag:s20] =	ssyncset.done $0x0  }
0x30: {  	[sflag:s20] =	ssyncadd.s32 $0xFFFE7000  }
0x31: {  	_ =	swait.ge [sflag:s20], $0x19000  }
0x32: {  	[sflag:s20] =	ssyncset.done $0x0  }
0x33: {  	[sflag:s20] =	ssyncadd.s32 $0xFFFE7000  }
0x34: {  	_ =	swait.ge [sflag:s20], $0x19000  }
0x35: {  	[sflag:s20] =	ssyncset.done $0x0  }
0x36: {  	[sflag:s20] =	ssyncadd.s32 $0xFFFE7000  }
0x37: {  	_ =	swait.ge [sflag:s20], $0x19000  }
0x38: {  	[sflag:s20] =	ssyncset.done $0x0  }
0x39: {  	[sflag:s20] =	ssyncadd.s32 $0xFFFE7000  }
0x3a: {  	_ =	swait.ge [sflag:s20], $0x19000  }
0x3b: {  	[sflag:s20] =	ssyncset.done $0x0  }
0x3c: {  	[sflag:s20] =	ssyncadd.s32 $0xFFFE7000  }
0x3d: {  	_ =	swait.ge [sflag:s20], $0x19000  }
0x3e: {  	[sflag:s20] =	ssyncset.done $0x0  }
0x3f: {  	[sflag:s20] =	ssyncadd.s32 $0xFFFE7000  }
0x40: {  	_ =	swait.ge [sflag:s20], $0x19000  }
0x41: {  	[sflag:s20] =	ssyncset.done $0x0  }
0x42: {  	[sflag:s20] =	ssyncadd.s32 $0xFFFE7000  }
0x43: {  	_ =	swait.ge [sflag:s20], $0x19000  }
0x44: {  	[sflag:s20] =	ssyncset.done $0x0  }
0x45: {  	[sflag:s20] =	ssyncadd.s32 $0xFFFE7000  }
0x46: {  	_ =	swait.ge [sflag:s20], $0x19000  }
0x47: {  	[sflag:s20] =	ssyncset.done $0x0  }
0x48: {  	[sflag:s20] =	ssyncadd.s32 $0xFFFE7000  }
0x49: {  	_ =	swait.ge [sflag:s20], $0x19000  }
0x4a: {  	[sflag:s20] =	ssyncset.done $0x0  }
0x4b: {  	[sflag:s20] =	ssyncadd.s32 $0xFFFE7000  }
0x4c: {  	_ =	swait.ge [sflag:s20], $0x19000  }
0x4d: {  	[sflag:s20] =	ssyncset.done $0x0  }
0x4e: {  	[sflag:s20] =	ssyncadd.s32 $0xFFFE7000  }
0x4f: {  	_ =	swait.ge [sflag:s20], $0x19000  }
0x50: {  	s22 =	ssub.s32 $0x2, s22;
	[sflag:s20] =	ssyncset.done $0x0  }
0x51: {  	s23 =	sshrl.u32 s22, $0x1;
	[sflag:s20] =	ssyncadd.s32 $0xFFFE7000  }
0x52: {  	s22 =	ssub.s32 s22, s23;
	_ =	swait.ge [sflag:s20], $0x19000  }
0x53: {  	s22 =	smax.u32 s22, $0x1;
	[sflag:s20] =	ssyncset.done $0x0  }
0x54: {  	p0 =	sne.s32 s22, $0x1;
	[sflag:s20] =	ssyncadd.s32 $0xFFFE7000  }
.Ltmp0:
0x55: {  	_ =	swait.ge [sflag:s20], $0x19000;
	(pc) =	sbr.rel @!p0 .LBB2_2-.Ltmp0, $4  }
0x56: {  	[sflag:s20] =	ssyncset.done $0x0  }
0x57: {  	[sflag:s20] =	ssyncadd.s32 $0xFFFE7000  }
0x58: {  	_ =	swait.ge [sflag:s20], $0x19000  }
0x59: {  	s22 =	sadd.s32 $0xFFFFFFFF, s22;
	[sflag:s20] =	ssyncset.done $0x0  }
.LBB2_1:
0x5a: {  	p0 =	sne.s32 s22, $0x1;
	s22 =	sadd.s32 $0xFFFFFFFF, s22;
	[sflag:s20] =	ssyncadd.s32 $0xFFFE7000  }
0x5b: {  	[tilespmem:s2], [sflag:$0x1] =	stream.linear.gather [hbm4b:s3+s2], $0x19000, $0x38;
	[tilespmem:$0x19000] =	vst v63  }
0x5c: {  	_ =	swait.ge [sflag:s4], $0x19000  }
0x5d: {  	[sflag:s4] =	ssyncset.done $0x0  }
0x5e: {  	[sflag:s4] =	ssyncadd.s32 $0xFFFE7000  }
0x5f: {  	[hbm4b:s5+s2] =	stream.linear.scatter [tilespmem:s2], [sflag:$0x2], $0x19000, $0x38;
	[tilespmem:$0x19000] =	vst v63  }
0x60: {  	_ = 	snop  }
0x61: {  	[hbm4b:s6+s2] =	stream.linear.scatter [tilespmem:s2], [sflag:$0x2], $0x19000, $0x38;
	[tilespmem:$0x19000] =	vst v63  }
0x62: {  	_ = 	snop  }
0x63: {  	[hbm4b:s7+s2] =	stream.linear.scatter [tilespmem:s2], [sflag:$0x2], $0x19000, $0x38;
	[tilespmem:$0x19000] =	vst v63  }
0x64: {  	_ = 	snop  }
0x65: {  	[hbm4b:s8+s2] =	stream.linear.scatter [tilespmem:s2], [sflag:$0x2], $0x19000, $0x38;
	[tilespmem:$0x19000] =	vst v63  }
0x66: {  	_ = 	snop  }
0x67: {  	[hbm4b:s9+s2] =	stream.linear.scatter [tilespmem:s2], [sflag:$0x2], $0x19000, $0x38;
	[tilespmem:$0x19000] =	vst v63  }
0x68: {  	_ = 	snop  }
0x69: {  	[hbm4b:s10+s2] =	stream.linear.scatter [tilespmem:s2], [sflag:$0x2], $0x19000, $0x38;
	[tilespmem:$0x19000] =	vst v63  }
0x6a: {  	_ = 	snop  }
0x6b: {  	[hbm4b:s11+s2] =	stream.linear.scatter [tilespmem:s2], [sflag:$0x2], $0x19000, $0x38;
	[tilespmem:$0x19000] =	vst v63  }
0x6c: {  	_ = 	snop  }
0x6d: {  	[hbm4b:s12+s2] =	stream.linear.scatter [tilespmem:s2], [sflag:$0x2], $0x19000, $0x38;
	[tilespmem:$0x19000] =	vst v63  }
0x6e: {  	_ = 	snop  }
0x6f: {  	[hbm4b:s13+s2] =	stream.linear.scatter [tilespmem:s2], [sflag:$0x2], $0x19000, $0x38;
	[tilespmem:$0x19000] =	vst v63  }
0x70: {  	_ = 	snop  }
0x71: {  	[hbm4b:s14+s2] =	stream.linear.scatter [tilespmem:s2], [sflag:$0x2], $0x19000, $0x38;
	[tilespmem:$0x19000] =	vst v63  }
0x72: {  	_ = 	snop  }
0x73: {  	[hbm4b:s15+s2] =	stream.linear.scatter [tilespmem:s2], [sflag:$0x2], $0x19000, $0x38;
	[tilespmem:$0x19000] =	vst v63  }
0x74: {  	_ = 	snop  }
0x75: {  	[hbm4b:s16+s2] =	stream.linear.scatter [tilespmem:s2], [sflag:$0x2], $0x19000, $0x38;
	[tilespmem:$0x19000] =	vst v63  }
0x76: {  	_ = 	snop  }
0x77: {  	[hbm4b:s17+s2] =	stream.linear.scatter [tilespmem:s2], [sflag:$0x2], $0x19000, $0x38;
	[tilespmem:$0x19000] =	vst v63  }
0x78: {  	_ = 	snop  }
0x79: {  	[hbm4b:s18+s2] =	stream.linear.scatter [tilespmem:s2], [sflag:$0x2], $0x19000, $0x38;
	[tilespmem:$0x19000] =	vst v63  }
0x7a: {  	_ = 	snop  }
0x7b: {  	[hbm4b:s19+s2] =	stream.linear.scatter [tilespmem:s2], [sflag:$0x2], $0x19000, $0x38;
	[tilespmem:$0x19000] =	vst v63  }
0x7c: {  	_ = 	snop  }
0x7d: {  	[hbm4b:s21+s2] =	stream.linear.scatter [tilespmem:s2], [sflag:$0x2], $0x19000, $0x38;
	[tilespmem:$0x19000] =	vst v63  }
0x7e: {  	_ =	swait.ge [sflag:s20], $0x19000  }
0x7f: {  	[sflag:s20] =	ssyncset.done $0x0  }
0x80: {  	[sflag:s20] =	ssyncadd.s32 $0xFFFE7000  }
0x81: {  	_ =	swait.ge [sflag:s20], $0x19000  }
0x82: {  	[sflag:s20] =	ssyncset.done $0x0  }
0x83: {  	[sflag:s20] =	ssyncadd.s32 $0xFFFE7000  }
0x84: {  	_ =	swait.ge [sflag:s20], $0x19000  }
0x85: {  	[sflag:s20] =	ssyncset.done $0x0  }
0x86: {  	[sflag:s20] =	ssyncadd.s32 $0xFFFE7000  }
0x87: {  	_ =	swait.ge [sflag:s20], $0x19000  }
0x88: {  	[sflag:s20] =	ssyncset.done $0x0  }
0x89: {  	[sflag:s20] =	ssyncadd.s32 $0xFFFE7000  }
0x8a: {  	_ =	swait.ge [sflag:s20], $0x19000  }
0x8b: {  	[sflag:s20] =	ssyncset.done $0x0  }
0x8c: {  	[sflag:s20] =	ssyncadd.s32 $0xFFFE7000  }
0x8d: {  	_ =	swait.ge [sflag:s20], $0x19000  }
0x8e: {  	[sflag:s20] =	ssyncset.done $0x0  }
0x8f: {  	[sflag:s20] =	ssyncadd.s32 $0xFFFE7000  }
0x90: {  	_ =	swait.ge [sflag:s20], $0x19000  }
0x91: {  	[sflag:s20] =	ssyncset.done $0x0  }
0x92: {  	[sflag:s20] =	ssyncadd.s32 $0xFFFE7000  }
0x93: {  	_ =	swait.ge [sflag:s20], $0x19000  }
0x94: {  	[sflag:s20] =	ssyncset.done $0x0  }
0x95: {  	[sflag:s20] =	ssyncadd.s32 $0xFFFE7000  }
0x96: {  	_ =	swait.ge [sflag:s20], $0x19000  }
0x97: {  	[sflag:s20] =	ssyncset.done $0x0  }
0x98: {  	[sflag:s20] =	ssyncadd.s32 $0xFFFE7000  }
0x99: {  	_ =	swait.ge [sflag:s20], $0x19000  }
0x9a: {  	[sflag:s20] =	ssyncset.done $0x0  }
0x9b: {  	[sflag:s20] =	ssyncadd.s32 $0xFFFE7000  }
0x9c: {  	_ =	swait.ge [sflag:s20], $0x19000  }
0x9d: {  	[sflag:s20] =	ssyncset.done $0x0  }
0x9e: {  	[sflag:s20] =	ssyncadd.s32 $0xFFFE7000  }
0x9f: {  	_ =	swait.ge [sflag:s20], $0x19000  }
0xa0: {  	[sflag:s20] =	ssyncset.done $0x0  }
0xa1: {  	[sflag:s20] =	ssyncadd.s32 $0xFFFE7000  }
0xa2: {  	_ =	swait.ge [sflag:s20], $0x19000  }
0xa3: {  	[sflag:s20] =	ssyncset.done $0x0  }
0xa4: {  	[sflag:s20] =	ssyncadd.s32 $0xFFFE7000  }
0xa5: {  	_ =	swait.ge [sflag:s20], $0x19000  }
0xa6: {  	[sflag:s20] =	ssyncset.done $0x0  }
0xa7: {  	[sflag:s20] =	ssyncadd.s32 $0xFFFE7000  }
.Ltmp1:
0xa8: {  	_ =	swait.ge [sflag:s20], $0x19000;
	(pc) =	sbr.rel @p0 .LBB2_1-.Ltmp1, $4  }
0xa9: {  	[sflag:s20] =	ssyncset.done $0x0  }
0xaa: {  	[sflag:s20] =	ssyncadd.s32 $0xFFFE7000  }
0xab: {  	_ =	swait.ge [sflag:s20], $0x19000  }
0xac: {  	[sflag:s20] =	ssyncset.done $0x0  }
.LBB2_2:
0xad: {  	[sflag:s20] =	ssyncadd.s32 $0xFFFE7000  }
0xae: {  	_ =	sfence.sel $0x180000  }
0xaf: {  	[bflag:$0x0] =	sbarrier.arrive $0xFFFF  }
0xb0: {  	p0 =	sne.s32 s1, $0x0;
	_ =	strace $0x90000047  }
0xb1: {  	s0 =	sadd.s32 @!p0 $0x100000, s0;
	[bflag:$0x2] =	sbarrier.arrive $0xFFFF  }
0xb2: {  	[sflag:s0] =	ssyncadd.tile.s32 @!p0 $0x1;
	_ =	shalt  }
.Lfunc_end2:
_tile_overlayer_lowered:
.L_overlay_start_2:
0xb3: {  	(tag) =	ssettag $0x2  }
0xb4: {  	s0 =	rddreg [dreg:$0x0];
	s2 =	stileid.u32  }
0xb5: {  	s1 =	rddreg [dreg:$0x1];
	p0 =	sne.s32 s2, $0x0  }
0xb6: {  	s3 =	rddreg [dreg:$0x2];
	[bflag:$0x3] =	sbarrier.arrive $0xFFFF;
	s2 =	simm.s32 @!p0 $0x1C03  }
0xb7: {  	[timem:s3], [sflag:s2] =	dma.local @!p0 [hbm:s0], s1  }
0xb8: {  	s0 =	simm.s32 @!p0 $0x3  }
0xb9: {  	_ =	swait.ge @!p0 [sflag:s0], s1  }
0xba: {  	s1 =	ssub.s32 @!p0 $0x0, s1;
	[sflag:s0] =	ssyncset.done @!p0 $0x0  }
0xbb: {  	[sflag:s0] =	ssyncadd.s32 @!p0 s1  }
0xbc: {  	[bflag:$0x3] =	sbarrier.arrive $0xFFFF  }
0xbd: {  	_ =	shalt  }

// kernel: sparse-core-data-format-call.cloned.1.call-start
scs
called_computation_lowered:
.L_overlay_start_0:
0x0: {  	s2 =	sld [smem:$0x3FD9]  }
0x1: {  	s3 =	sld [smem:$0x3FFE];
	_ =	sdelay $0x1  }
0x2: {  	s1 =	srdreg.scid  }
0x3: {  	s0 =	sand.u32 $0x1, s1  }
0x4: {  	s18 =	sshll.u32 s0, $0xA;
	s2 =	sadd.s32 s3, s2  }
0x5: {  	s2 =	sadd.s32 s2, s18  }
0x6: {  	[smem:$0x3FC7] =	sst s2  }
0x7: {  	_ = 	snop  }
0x8: {  	s2 =	sld [smem:$0x3FD0];
	(tm) =	ssettm $0x1  }
0x9: {  	s19 =	sld [smem:$0x3FFB];
	_ =	sdelay $0x3  }
0xa: {  	_ =	strace s19  }
0xb: {  	s3 =	sld [smem:$0x3FFC];
	_ =	sdelay $0x3  }
0xc: {  	_ =	strace s3  }
0xd: {  	s3 =	sld [smem:$0x3FFD];
	_ =	sdelay $0x3  }
0xe: {  	_ =	strace s3  }
0xf: {  	_ =	strace $0x8FFFFFFF  }
0x10: {  	s20 =	sld [smem:$0x3FDB];
	_ =	sdelay $0x1  }
0x11: {  	s4 =	simm.s32 $_scs_section_size  }
0x12: {  	s5 =	simm.s32 $_size__tile_overlayer_lowered;
	s6 =	simm.s32 $_tile_overlayer_lowered  }
0x13: {  	s23 =	simm.s32 $0x1BFF;
	s22 =	sshll.u32 s6, $0x1;
	s3 =	sadd.s32 s4, s20  }
0x14: {  	s7 =	simm.s32 $0x0;
	s21 =	sshll.u32 s5, $0x1;
	s5 =	sadd.s32 s22, s3  }
0x15: {  	[timem:s7], [sflag:s23] =	dma.local [hbm:s5], s21  }
0x16: {  	_ =	swait.ge [sflag:s23], s21  }
0x17: {  	s4 =	ssub.s32 $0x0, s21;
	[sflag:s23] =	ssyncset.done $0x0  }
0x18: {  	[sflag:s23] =	ssyncadd.s32 s4;
	_ =	sdelay $0x1  }
0x19: {  	s24 =	simm.s32 $0x1B8B  }
0x1a: {  	_ =	swait.ge [sflag:s24], $0x1  }
0x1b: {  	[sflag:s24] =	ssyncset.done $0x0  }
0x1c: {  	s26 =	simm.s32 $0x1B8E;
	s25 =	sld [smem:$0x3FFE];
	[sflag:s24] =	ssyncadd.s32 $0xFFFFFFFF  }
0x1d: {  	s27 =	simm.s32 $execute0_lowered;
	[smem:$0x3FD2] =	sst s26  }
0x1e: {  	s5 =	sshll.u32 s27, $0x1;
	_ =	strace $0x80000049;
	[dreg:$0x1] =	wrdreg $0xFFFFFFFF  }
0x1f: {  	s28 =	simm.s32 $_size_execute0_lowered;
	s3 =	sadd.s32 s3, s5;
	[dreg:$0x0] =	wrdreg $0x0  }
0x20: {  	s5 =	sshll.u32 s28, $0x1;
	[dreg:$0x2] =	wrdreg s3  }
0x21: {  	[dreg:$0x3] =	wrdreg s5  }
0x22: {  	[dreg:$0x4] =	wrdreg $0xC0  }
0x23: {  	_ =	task [dreg:s7], $0x5FFFF  }
0x24: {  	[dreg:$0x1] =	wrdreg $0xFFFFFFFF  }
0x25: {  	[dreg:$0x0] =	wrdreg $0x60  }
0x26: {  	[dreg:$0x2] =	wrdreg s25  }
0x27: {  	[dreg:$0x3] =	wrdreg s2  }
0x28: {  	[dreg:$0x4] =	wrdreg $0x9  }
0x29: {  	_ =	task.clear_ibuf [dreg:s7], $0x5FFFF;
	_ =	strace $0x90000049  }
0x2a: {  	s29 =	simm.s32 $0x9;
	_ =	strace $0x8000004B  }
0x2b: {  	_ =	swait.ge [sflag:s29], $0x1  }
0x2c: {  	[sflag:s29] =	ssyncadd.s32 $0xFFFFFFFF  }
0x2d: {  	_ =	strace $0x9000004B  }
0x2e: {  	_ =	sfence  }
0x2f: {  	s30 =	sld [smem:$0x0];
	_ =	sdelay $0x2  }
0x30: {  	s31 =	sshll.u32 s1, $0xD;
	s1 =	sshrl.u32 s1, $0x2  }
0x31: {  	s3 =	sand.u32 $0x4000, s31;
	s1 =	sadd.s32 s1, s30  }
0x32: {  	s0 =	sor.u32 s3, s0;
	s1 =	sshll.u32 s1, $0x11  }
0x33: {  	s0 =	sor.u32 s1, s0  }
0x34: {  	s0 =	sadd.s32 $0x8F2B, s0  }
0x35: {  	[sflag:s0] =	ssyncadd.remote.s32 $0x1  }
0x36: {  	_ =	sfence.sel $0xFFFF  }
0x37: {  	[dreg:$0x0] =	wrdreg $0xFFFFFFFF;
	(pc) =	sbr.abs _section_cstart, $3  }
0x38: {  	[dreg:$0x1] =	wrdreg $0xFFFFFFFF  }
0x39: {  	_ =	task.clear_ibuf [dreg:s7], $0x2FFFF;
	_ =	strace $0x9FFFFFFF  }
0x3a: {  	(tm) =	ssettm $0x7FFFFFFF  }
0x3b: {  	_ =	shalt  }
tec
execute0_lowered:
.L_overlay_start_1:
0x0: {  	(tag) =	ssettag $0x1  }
0x1: {  	s0 =	srdreg.scid  }
0x2: {  	s1 =	sshll.u32 s0, $0x4  }
0x3: {  	s0 =	stileid.u32;
	s1 =	sand.u32 $0x10, s1  }
0x4: {  	s1 =	sor.u32 s0, s1  }
0x5: {  	s6 =	rddreg [dreg:$0x0];
	s4 =	simm.s32 $0x1;
	s2 =	sshll.u32 s1, $0x7  }
0x6: {  	s7 =	simm.s32 $0x2;
	s12 =	simm.s32 $0x0;
	s1 =	ssub.s32 $0x1000, s2  }
0x7: {  	s8 =	simm.s32 $0x8000;
	s13 =	simm.s32 $0x0;
	s3 =	sand.u32 $0xF80, s1  }
0x8: {  	s9 =	simm.s32 $0x0;
	s5 =	sshrl.u32 s1, $0xC;
	p0 =	sne.s32 s3, $0x0  }
.Ltmp0:
0x9: {  	s1 =	rddreg [dreg:$0x2];
	s4 =	simm.s32 @!p0 $0x0;
	(pc) =	sbr.rel .LBB1_1-.Ltmp0, $4  }
0xa: {  	s11 =	simm.s32 $0x0;
	s3 =	rddreg [dreg:$0x1];
	s5 =	sadd.s32 s4, s5  }
0xb: {  	_ =	strace $0x8000004A;
	s4 =	simm.s32 $0x1;
	s5 =	smul.u32 $0xC8, s5  }
0xc: {  	s6 =	sadd.s32 $0x800, s6;
	s10 =	smov.u32 s2;
	[sflag:s4] =	ssyncpa.u1 $0x0  }
0xd: {  	p0 =	por $0x0, $0x0;
	[sflag:s7] =	ssyncpa.u1 $0x0;
	s7 =	sor.u32 $0x1, s5  }
.LBB1_4:
0xe: {  	s16 =	sshll.u32 s13, $0x3;
	s17 =	sand.u32 $0x78, s13  }
0xf: {  	s30 =	sand.u32 $0x7E00, s13;
	s12 =	sshll.u32 s12, $0xF;
	s16 =	sand.u32 $0xC00, s16  }
0x10: {  	[tilespmem:s15+$0x810 ss:$0x81] =	vst.msk $0xffff, v2;
	s31 =	sand.u32 $0x7, s13;
	s16 =	sor.u32 s17, s16;
	s17 =	sadd.s32 s3, s30  }
0x11: {  	[tilespmem:s15+$0x1020 ss:$0x81] =	vst.msk $0xffff, v0;
	s13 =	sshll.u32 s31, $0x12;
	s12 =	sadd.s32 s12, s17;
	s16 =	sshrl.u32 s16, $0x3  }
0x12: {  	[tilespmem:s15+$0x0 ss:$0x81] =	vst.msk $0xffff, v1;
	s13 =	sor.u32 $0x400, s13;
	s12 =	sadd.s32 s16, s12  }
0x13: {  	[hbm4b:s12+s13] =	stream.strided.scatter [tilespmem:s14], [sflag:$0x2], $0x2000, s8, s13, $0x20;
	[tilespmem:$0x8080] =	vst v63  }
.LBB1_5:
0x14: {  	s14 =	sadd.s32 $0x1, s9  }
0x15: {  	s12 =	sadd.s32 $0x1000, s10;
	s16 =	smov.u32 s10;
	p2 =	sgt.s32 s14, $0xC7  }
0x16: {  	s16 =	smov.u32 @p2 s12  }
0x17: {  	s14 =	simm.s32 @p2 $0x0;
	p2 =	sgt.s32 s16, $0xFFF  }
0x18: {  	s16 =	smov.u32 @p2 s2;
	p2 =	sne.s32 s11, s7  }
.Ltmp1:
0x19: {  	p1 =	slt.u32 s11, $0x2;
	(pc) =	sbr.rel @!p2 .LBB1_6-.Ltmp1, $4  }
0x1a: {  	s15 =	simm.s32 @!p1 $0x2  }
0x1b: {  	s13 =	smov.u32 s10;
	p0 =	por !p0, !p0;
	_ =	swait.ge @!p1 [sflag:s15], $0x2000  }
0x1c: {  	s12 =	smov.u32 s9;
	[sflag:s15] =	ssyncset.done @!p1 $0x0;
	s9 =	smov.u32 s14  }
0x1d: {  	s11 =	sadd.s32 $0x1, s11;
	[sflag:s15] =	ssyncadd.s32 @!p1 $0xFFFFE000;
	s10 =	smov.u32 s16  }
.LBB1_1:
0x1e: {  	p1 =	sge.u32 s11, s5  }
0x1f: {  	s14 =	sand.u32 @!p1 $0x1FFFFFF, s9  }
0x20: {  	s15 =	smulhi.u32 @!p1 $0x147AE15, s14;
	_ =	sdelay $0x1  }
0x21: {  	s15 =	smul.u32 @!p1 $0xC8, s15  }
0x22: {  	s16 =	sxor.u32 @!p1 $0xFFFFFFFF, s11;
	s17 =	smul.u32 @!p1 $0xC80, s10  }
0x23: {  	s31 =	sadd.s32 $0xFFFFFFFF, s11;
	s16 =	sshll.u32 @!p1 s16, $0xD;
	s14 =	ssub.s32 @!p1 s14, s15  }
0x24: {  	s15 =	sand.u32 @!p1 $0x2000, s16;
	s16 =	sadd.s32 @!p1 s6, s17;
	s14 =	sshll.u32 @!p1 s14, $0x4  }
0x25: {  	s17 =	simm.s32 @!p1 $0x6400;
	s14 =	sadd.s32 @!p1 s14, s16;
	s16 =	simm.s32 @!p1 $0x40  }
0x26: {  	[tilespmem:s15], [sflag:$0x1] =	stream.strided.gather @!p1 [hbm4b:s14+s16], $0x2000, s17, s16, $0x38;
	[tilespmem:$0x8080] =	vst v63  }
0x27: {  	p1 =	sge.u32 s31, s5  }
.Ltmp2:
0x28: {  	_ = 	snop;
	(pc) =	sbr.rel @p1 .LBB1_5-.Ltmp2, $1  }
0x29: {  	_ =	sdelay $0x3  }
0x2a: {  	s14 =	simm.s32 $0x1  }
0x2b: {  	_ =	swait.ge [sflag:s4], $0x2000;
	s14 =	simm.s32 @!p0 $0x0  }
0x2c: {  	[sflag:s4] =	ssyncset.done $0x0;
	s15 =	sshll.u32 s14, $0xD  }
0x2d: {  	[sflag:s4] =	ssyncadd.s32 $0xFFFFE000;
	s18 =	sor.u32 $0x20, s15  }
0x2e: {  	s14 =	smul.u32 $0x8100, s14;
	v3 =	vld [tilespmem:s18+$0x10]  }
0x2f: {  	s30 =	sand.u32 $0x1, s11;
	v2 =	vld [tilespmem:s18+$0xFFFFFFF0]  }
0x30: {  	s15 =	smul.u32 $0x8100, s30;
	s14 =	sshrl.u32 s14, $0x2;
	v0 =	vld [tilespmem:s18+$0x0]  }
0x31: {  	v1 =	vld [tilespmem:s18+$0xFFFFFFE0];
	s16 =	sor.u32 $0x4000, s14  }
0x32: {  	s31 =	sshrl.u32 s15, $0x2;
	s15 =	sadd.s32 $0x0, s16  }
0x33: {  	s17 =	simm.s32 $0x4;
	s18 =	sadd.s32 $0x40, s18;
	s14 =	sor.u32 $0x4000, s31;
	[tilespmem:s15+$0x1830 ss:$0x81] =	vst.msk $0xffff, v3  }
.LBB1_3:
0x34: {  	v3 =	vld [tilespmem:s18+$0x10];
	p1 =	sne.s32 s17, $0x1FC;
	[tilespmem:s15+$0x810 ss:$0x81] =	vst.msk $0xffff, v2;
	s19 =	smov.u32 s17;
	s17 =	sadd.s32 $0x4, s17  }
.Ltmp3:
0x35: {  	v2 =	vld [tilespmem:s18+$0xFFFFFFF0];
	[tilespmem:s15+$0x1020 ss:$0x81] =	vst.msk $0xffff, v0;
	(pc) =	sbr.rel @p1 .LBB1_3-.Ltmp3, $4  }
0x36: {  	v0 =	vld [tilespmem:s18+$0x0];
	[tilespmem:s15+$0x0 ss:$0x81] =	vst.msk $0xffff, v1  }
0x37: {  	s15 =	sshra.s32 s19, $0x2;
	v1 =	vld [tilespmem:s18+$0xFFFFFFE0]  }
0x38: {  	s15 =	sadd.s32 s15, s16  }
0x39: {  	s18 =	sadd.s32 $0x40, s18;
	[tilespmem:s15+$0x1830 ss:$0x81] =	vst.msk $0xffff, v3  }
.Ltmp4:
0x3a: {  	_ = 	snop;
	(pc) =	sbr.rel .LBB1_4-.Ltmp4, $1  }
0x3b: {  	_ =	sdelay $0x3  }
.LBB1_6:
0x3c: {  	_ =	sfence.sel $0x180000  }
0x3d: {  	s2 =	simm.s32 $0x1;
	[bflag:$0x0] =	sbarrier.arrive $0xFFFF  }
0x3e: {  	s31 =	simm.s32 $0x2;
	[sflag:s2] =	ssyncpa.u1 $0x1  }
0x3f: {  	[sflag:s31] =	ssyncpa.u1 $0x1  }
0x40: {  	p0 =	sne.s32 s0, $0x0;
	_ =	strace $0x9000004A  }
0x41: {  	s0 =	sadd.s32 @!p0 $0x100000, s1;
	[bflag:$0x2] =	sbarrier.arrive $0xFFFF  }
0x42: {  	[sflag:s0] =	ssyncadd.tile.s32 @!p0 $0x1;
	_ =	shalt  }
.Lfunc_end1:
_tile_overlayer_lowered:
.L_overlay_start_2:
0x43: {  	(tag) =	ssettag $0x2  }
0x44: {  	s0 =	rddreg [dreg:$0x0];
	s2 =	stileid.u32  }
0x45: {  	s1 =	rddreg [dreg:$0x1];
	p0 =	sne.s32 s2, $0x0  }
0x46: {  	s3 =	rddreg [dreg:$0x2];
	[bflag:$0x3] =	sbarrier.arrive $0xFFFF;
	s2 =	simm.s32 @!p0 $0x1C01  }
0x47: {  	[timem:s3], [sflag:s2] =	dma.local @!p0 [hbm:s0], s1  }
0x48: {  	s0 =	simm.s32 @!p0 $0x1  }
0x49: {  	_ =	swait.ge @!p0 [sflag:s0], s1  }
0x4a: {  	s1 =	ssub.s32 @!p0 $0x0, s1;
	[sflag:s0] =	ssyncset.done @!p0 $0x0  }
0x4b: {  	[sflag:s0] =	ssyncadd.s32 @!p0 s1  }
0x4c: {  	[bflag:$0x3] =	sbarrier.arrive $0xFFFF  }
0x4d: {  	_ =	shalt  }

</sc_bundles>
